<compile_context>
chip_gen: v7x
topology: tpu7x:2x2x1
jax: 0.10.2.dev20260603
libtpu: 0.0.44.dev20260713+nightly
codegen_flags: <defaults>
</compile_context>

<pallas_src>
import numpy as np
import jax
import jax.numpy as jnp
from jax import lax
from jax.experimental import pallas as pl
from jax.experimental.pallas import tpu as pltpu
from jax.experimental.pallas import tpu_sc as plsc

_VOCAB_TOKENS = ['<pad>', '<start>', '<end>', 'C', 'O', 'N', '(', ')', '[', ']',
                 '=', '#', '%', '1', '2', '3', '4', '5', '6', '7', '8', '9']
_CONSTRAINT_STRENGTH = 0.5
_V = len(_VOCAB_TOKENS)
_VP = 32
_DIGIT_LO = 13

_NC, _NS = 2, 16
_NW = _NC * _NS


def _token_tables():
    base = {'(', '[', ')', ']', 'C', 'O', 'N', '=', '#'}
    digit_allowed = base | {'%'}
    nondigit_allowed = base | {str(i) for i in range(1, 10)}
    dis_digit = np.ones(_V, np.float32)
    dis_nondigit = np.ones(_V, np.float32)
    for idx, tok in enumerate(_VOCAB_TOKENS):
        if tok in digit_allowed:
            dis_digit[idx] = 0.0
        if tok in nondigit_allowed:
            dis_nondigit[idx] = 0.0
    return dis_digit, dis_nondigit


_DIS_DIGIT, _DIS_NONDIGIT = _token_tables()


def _sc_histogram(inputs):
    B, L = inputs.shape
    rows_per_w = B // _NW
    n_full = (L - 1) // 16
    tail_start = L - 16
    tail_lo = n_full * 16 - tail_start

    mesh = plsc.VectorSubcoreMesh(core_axis_name="c", subcore_axis_name="s",
                                  num_cores=_NC, num_subcores=_NS)

    def body(x_hbm, out_hbm, x_v, hist_v, sem):
        wid = lax.axis_index("s") * _NC + lax.axis_index("c")
        base = wid * rows_per_w
        cp = pltpu.make_async_copy(x_hbm.at[pl.ds(base, rows_per_w)], x_v, sem)
        cp.start()

        lane = lax.iota(jnp.int32, 16)
        zeros16 = jnp.zeros((16,), jnp.float32)
        ones16 = jnp.ones((16,), jnp.float32)

        @plsc.parallel_loop(0, rows_per_w * _VP // 16, unroll=8)
        def zero_chunk(i):
            hist_v[pl.ds(i * 16, 16)] = zeros16
        cp.wait()

        @plsc.parallel_loop(0, rows_per_w, unroll=4)
        def do_row(r):
            rbase = jnp.full((16,), 0, jnp.int32) + r * _VP
            for c in range(n_full):
                tok = x_v[r, pl.ds(c * 16, 16)]
                plsc.addupdate_scatter(hist_v, [rbase + tok], ones16)
            tok = x_v[r, pl.ds(tail_start, 16)]
            plsc.addupdate_scatter(hist_v, [rbase + tok], ones16,
                                   mask=lane >= tail_lo)
            mlast = jnp.logical_and(lane == 15, tok >= _DIGIT_LO)
            plsc.addupdate_scatter(hist_v, [rbase + 22], ones16, mask=mlast)

        pltpu.sync_copy(hist_v, out_hbm.at[pl.ds(base * _VP, rows_per_w * _VP)])

    flat = pl.kernel(
        body,
        out_type=jax.ShapeDtypeStruct((B * _VP,), jnp.float32),
        mesh=mesh,
        compiler_params=pltpu.CompilerParams(needs_layout_passes=False),
        scratch_types=[
            pltpu.VMEM((rows_per_w, L), jnp.int32),
            pltpu.VMEM((rows_per_w * _VP,), jnp.float32),
            pltpu.SemaphoreType.DMA,
        ],
    )(inputs)
    return flat.reshape(B, _VP)


def _tc_body(c_ref, z_ref, E_ref, W1_ref, Wz_ref, b1_ref, W2_ref, b2_ref,
             isd_ref, dd_ref, dn_ref, o_ref, *, L):
    c = c_ref[...]
    h = jnp.dot(c, E_ref[...], preferred_element_type=jnp.float32) * (1.0 / L)
    pre = (jnp.dot(h, W1_ref[...], preferred_element_type=jnp.float32)
           + jnp.dot(z_ref[...], Wz_ref[...], preferred_element_type=jnp.float32)
           + b1_ref[...])
    h2 = jnp.tanh(pre)
    logits = jnp.dot(h2, W2_ref[...], preferred_element_type=jnp.float32) + b2_ref[...]

    n_digit = jnp.sum(c * isd_ref[...], axis=1, keepdims=True)
    mask = n_digit * dd_ref[...] + (jnp.float32(L - 1) - n_digit) * dn_ref[...]
    o_ref[...] = logits - _CONSTRAINT_STRENGTH * mask


def kernel(inputs, z, E, W1, Wz, b1, W2, b2):
    B, L = inputs.shape
    D = W1.shape[0]
    Z = Wz.shape[0]

    counts = _sc_histogram(inputs)

    E32 = jnp.zeros((_VP, D), jnp.float32).at[:_V].set(E)
    isd = np.zeros((1, _VP), np.float32)
    isd[0, _DIGIT_LO:_V] = 1.0
    isd[0, 22] = -1.0

    BB = 512
    grid = (B // BB,)
    rep = lambda i: (0, 0)
    blk = lambda i: (i, 0)
    import functools
    return pl.pallas_call(
        functools.partial(_tc_body, L=L),
        grid=grid,
        in_specs=[
            pl.BlockSpec((BB, _VP), blk),
            pl.BlockSpec((BB, Z), blk),
            pl.BlockSpec((_VP, D), rep),
            pl.BlockSpec((D, D), rep),
            pl.BlockSpec((Z, D), rep),
            pl.BlockSpec((1, D), rep),
            pl.BlockSpec((D, _V), rep),
            pl.BlockSpec((1, _V), rep),
            pl.BlockSpec((1, _VP), rep),
            pl.BlockSpec((1, _V), rep),
            pl.BlockSpec((1, _V), rep),
        ],
        out_specs=pl.BlockSpec((BB, _V), blk),
        out_shape=jax.ShapeDtypeStruct((B, _V), jnp.float32),
    )(counts, z, E32, W1, Wz,
      b1.reshape(1, D), W2, b2.reshape(1, _V),
      jnp.asarray(isd),
      jnp.asarray(_DIS_DIGIT).reshape(1, _V),
      jnp.asarray(_DIS_NONDIGIT).reshape(1, _V))

# --- scband reference (transcript-rebuilt; emitter-appended) ---
"""Pipeline reference for scband-training-constraint-wrapper-3427383902410 (READ-ONLY COPY).

The authoritative reference and input builder live on the scoring server;
editing this copy changes nothing except your own understanding.
"""

import jax, jax.numpy as jnp
import numpy as np

VOCAB = {'<pad>': 0, '<start>': 1, '<end>': 2, 'C': 3, 'O': 4, 'N': 5, '(': 6, ')': 7, '[': 8, ']': 9, '=': 10, '#': 11, '%': 12, '1': 13, '2': 14, '3': 15, '4': 16, '5': 17, '6': 18, '7': 19, '8': 20, '9': 21}
CONSTRAINT_STRENGTH = 0.5

# Faithful vectorization note: in the original _get_allowed_tokens, the
# bracket-stack branch only ever adds ')' or ']', both of which are already
# unconditionally added via allowed.update(['(', '[', ')', ']']). Hence the
# allowed set depends ONLY on whether the previous token is a digit:
#   base = {'(','[',')',']','C','O','N','=','#'}
#   last is digit     -> allowed = base | {'%'}   ('#','=' already in base)
#   last is not digit -> allowed = base | {'1'..'9'}
# The mask accumulates +1 for every disallowed vocab id at every step
# t in range(1, L), where the branch is decided by tokens[t-1].

def _build_token_tables():
    V = len(VOCAB)
    base = {'(', '[', ')', ']', 'C', 'O', 'N', '=', '#'}
    digit_allowed = base | {'%'}
    nondigit_allowed = base | {str(i) for i in range(1, 10)}
    # '<pad>'/'<start>'/'<end>' are discarded from allowed (they are never in it anyway)
    is_digit = np.zeros(V, np.float32)
    dis_digit = np.ones(V, np.float32)      # disallowed indicator when prev token is a digit
    dis_nondigit = np.ones(V, np.float32)   # disallowed indicator otherwise
    for tok, idx in VOCAB.items():
        if tok.isdigit():
            is_digit[idx] = 1.0
        if tok in digit_allowed:
            dis_digit[idx] = 0.0
        if tok in nondigit_allowed:
            dis_nondigit[idx] = 0.0
    return jnp.asarray(is_digit), jnp.asarray(dis_digit), jnp.asarray(dis_nondigit)


def setup_inputs(seed: int = 0) -> dict:
    key = jax.random.key(seed)
    B, L, D, Z = 4096, 100, 128, 64
    V = len(VOCAB)
    ks = jax.random.split(key, 8)
    inputs = jax.random.randint(ks[0], (B, L), 0, V, dtype=jnp.int32)
    z = jax.random.normal(ks[1], (B, Z), dtype=jnp.float32)
    E = jax.random.normal(ks[2], (V, D), dtype=jnp.float32) * 0.02
    W1 = jax.random.normal(ks[3], (D, D), dtype=jnp.float32) * 0.02
    Wz = jax.random.normal(ks[4], (Z, D), dtype=jnp.float32) * 0.02
    b1 = jnp.zeros((D,), dtype=jnp.float32)
    W2 = jax.random.normal(ks[5], (D, V), dtype=jnp.float32) * 0.02
    b2 = jnp.zeros((V,), dtype=jnp.float32)
    return {"inputs": inputs, "z": z, "E": E, "W1": W1, "Wz": Wz, "b1": b1, "W2": W2, "b2": b2}


def _decoder(inputs, z, E, W1, Wz, b1, W2, b2):
    emb = jnp.take(E, inputs, axis=0)          # [B, L, D] embedding gather
    h = jnp.mean(emb, axis=1)                  # [B, D]
    h2 = jnp.tanh(h @ W1 + z @ Wz + b1)        # [B, D]
    return h2 @ W2 + b2                        # [B, V] logits


def _constraint_mask(inputs, is_digit, dis_digit, dis_nondigit):
    prev = inputs[:, :-1]                                  # tokens[t-1] for t in 1..L-1
    n_digit = jnp.take(is_digit, prev, axis=0).sum(axis=1)  # [B]
    L1 = prev.shape[1]
    n_nondigit = jnp.float32(L1) - n_digit
    mask = n_digit[:, None] * dis_digit[None, :] + n_nondigit[:, None] * dis_nondigit[None, :]
    return mask                                            # [B, V]


def reference(inputs, z, E, W1, Wz, b1, W2, b2):
    is_digit, dis_digit, dis_nondigit = _build_token_tables()
    logits = _decoder(inputs, z, E, W1, Wz, b1, W2, b2)
    mask = _constraint_mask(inputs, is_digit, dis_digit, dis_nondigit)
    return logits - CONSTRAINT_STRENGTH * mask

if __name__ == "__main__":
    import jax
    _d = setup_inputs()
    print(jax.jit(kernel)(*tuple(_d.values())))

</pallas_src>

<mosaic_0001>
#map = affine_map<(d0, d1) -> (0, 0)>
#map1 = affine_map<(d0, d1) -> (0)>
module attributes {stable_mosaic.version = 14 : i64} {
  func.func @body(%arg0: i32, %arg1: i32, %arg2: memref<4096x100xi32, #tpu.memory_space<hbm>>, %arg3: memref<131072xf32, #tpu.memory_space<hbm>>, %arg4: memref<128x100xi32, #tpu.memory_space<vmem>>, %arg5: memref<4096xf32, #tpu.memory_space<vmem>>, %arg6: memref<!tpu.dma_semaphore, #tpu.memory_space<semaphore_mem>>) attributes {dimension_semantics = [#tpu.dimension_semantics<core_parallel>, #tpu.dimension_semantics<subcore_parallel>], iteration_bounds = array<i64: 2, 16>, scalar_prefetch = 0 : i64, scratch_operands = 3 : i64, tpu.core_type = #tpu.core_type<sc_vector_subcore>, window_params = [{transform_indices = #map}, {transform_indices = #map1}]} {
    %mul3A = arith.constant 2 : i32
    %mul3A_0 = arith.muli %arg1, %mul3A : i32
    %add3A = arith.addi %mul3A_0, %arg0 : i32
    %mul3A_1 = arith.constant 128 : i32
    %mul3A_2 = arith.muli %add3A, %mul3A_1 : i32
    %dma_start3A = arith.constant 0 : i32
    %dma_start3A_3 = tpu.memref_slice %arg2[%mul3A_2, %dma_start3A] : memref<4096x100xi32, #tpu.memory_space<hbm>> -> memref<128x100xi32, #tpu.memory_space<hbm>>
    %dma_start3A_4 = arith.constant 0 : i32
    %dma_start3A_5 = tpu.memref_slice %arg2[%mul3A_2, %dma_start3A_4] : memref<4096x100xi32, #tpu.memory_space<hbm>> -> memref<128x100xi32, #tpu.memory_space<hbm>>
    tpu.enqueue_dma source(%dma_start3A_5 : memref<128x100xi32, #tpu.memory_space<hbm>>) target(%arg4 : memref<128x100xi32, #tpu.memory_space<vmem>>) target_semaphore(%arg6 : memref<!tpu.dma_semaphore, #tpu.memory_space<semaphore_mem>>)
    %iota3A = tpu.iota {dimensions = array<i32: 0>} : vector<16xi32>
    %broadcast_in_dim3A = arith.constant 0.000000e+00 : f32
    %broadcast_in_dim3A_6 = vector.broadcast %broadcast_in_dim3A : f32 to vector<16xf32>
    %broadcast_in_dim3A_7 = arith.constant 1.000000e+00 : f32
    %broadcast_in_dim3A_8 = vector.broadcast %broadcast_in_dim3A_7 : f32 to vector<16xf32>
    %parallel_loop3A = arith.constant 0 : i32
    %parallel_loop3A_9 = arith.constant 256 : i32
    %parallel_loop3A_10 = arith.constant 1 : i32
    scf.for %parallel_loop3A_19 = %parallel_loop3A to %parallel_loop3A_9 step %parallel_loop3A_10  : i32 {
      %parallel_loop3A_20 = arith.constant 16 : i32
      %parallel_loop3A_21 = arith.muli %parallel_loop3A_19, %parallel_loop3A_20 : i32
      %parallel_loop3A_22 = arith.index_cast %parallel_loop3A_21 : i32 to index
      %parallel_loop3A_23 = tpu.vector_load %arg5[%parallel_loop3A_22] {strides = array<i32>} : memref<4096xf32, #tpu.memory_space<vmem>>, vector<16xf32>,
      tpu.vector_store %arg5[%parallel_loop3A_22], %broadcast_in_dim3A_6 {strides = array<i32>} : memref<4096xf32, #tpu.memory_space<vmem>>, vector<16xf32>,
    } {sc.loop_unroll_factor = 8 : i64, sc.parallel_access}
    %dma_wait3A = arith.constant 0 : i32
    %dma_wait3A_11 = tpu.memref_slice %arg2[%mul3A_2, %dma_wait3A] : memref<4096x100xi32, #tpu.memory_space<hbm>> -> memref<128x100xi32, #tpu.memory_space<hbm>>
    %dma_wait3A_12 = arith.constant 0 : i32
    %dma_wait3A_13 = tpu.memref_slice %arg2[%mul3A_2, %dma_wait3A_12] : memref<4096x100xi32, #tpu.memory_space<hbm>> -> memref<128x100xi32, #tpu.memory_space<hbm>>
    tpu.wait_dma2 semaphore(%arg6 : memref<!tpu.dma_semaphore, #tpu.memory_space<semaphore_mem>>) src(%dma_wait3A_13 : memref<128x100xi32, #tpu.memory_space<hbm>>) dst(%arg4 : memref<128x100xi32, #tpu.memory_space<vmem>>)
    %parallel_loop3A_14 = arith.constant 0 : i32
    %parallel_loop3A_15 = arith.constant 128 : i32
    %parallel_loop3A_16 = arith.constant 1 : i32
    scf.for %parallel_loop3A_19 = %parallel_loop3A_14 to %parallel_loop3A_15 step %parallel_loop3A_16  : i32 {
      %parallel_loop3A_20 = arith.constant 0 : i32
      %parallel_loop3A_21 = vector.broadcast %parallel_loop3A_20 : i32 to vector<16xi32>
      %parallel_loop3A_22 = arith.constant 32 : i32
      %parallel_loop3A_23 = arith.muli %parallel_loop3A_19, %parallel_loop3A_22 : i32
      %parallel_loop3A_24 = vector.broadcast %parallel_loop3A_23 : i32 to vector<16xi32>
      %parallel_loop3A_25 = arith.addi %parallel_loop3A_21, %parallel_loop3A_24 : vector<16xi32>
      %parallel_loop3A_26 = arith.index_cast %parallel_loop3A_19 : i32 to index
      %parallel_loop3A_27 = arith.constant 0 : index
      %parallel_loop3A_28 = tpu.vector_load %arg4[%parallel_loop3A_26, %parallel_loop3A_27] {strides = array<i32>} : memref<128x100xi32, #tpu.memory_space<vmem>>, vector<16xi32>,
      %parallel_loop3A_29 = arith.addi %parallel_loop3A_25, %parallel_loop3A_28 : vector<16xi32>
      tpu.vector_store_idx %arg5[%parallel_loop3A_29], %broadcast_in_dim3A_8 {add = true} : memref<4096xf32, #tpu.memory_space<vmem>>[vector<16xi32>], vector<16xf32>,
      %parallel_loop3A_30 = arith.index_cast %parallel_loop3A_19 : i32 to index
      %parallel_loop3A_31 = arith.constant 16 : index
      %parallel_loop3A_32 = tpu.vector_load %arg4[%parallel_loop3A_30, %parallel_loop3A_31] {strides = array<i32>} : memref<128x100xi32, #tpu.memory_space<vmem>>, vector<16xi32>,
      %parallel_loop3A_33 = arith.addi %parallel_loop3A_25, %parallel_loop3A_32 : vector<16xi32>
      tpu.vector_store_idx %arg5[%parallel_loop3A_33], %broadcast_in_dim3A_8 {add = true} : memref<4096xf32, #tpu.memory_space<vmem>>[vector<16xi32>], vector<16xf32>,
      %parallel_loop3A_34 = arith.index_cast %parallel_loop3A_19 : i32 to index
      %parallel_loop3A_35 = arith.constant 32 : index
      %parallel_loop3A_36 = tpu.vector_load %arg4[%parallel_loop3A_34, %parallel_loop3A_35] {strides = array<i32>} : memref<128x100xi32, #tpu.memory_space<vmem>>, vector<16xi32>,
      %parallel_loop3A_37 = arith.addi %parallel_loop3A_25, %parallel_loop3A_36 : vector<16xi32>
      tpu.vector_store_idx %arg5[%parallel_loop3A_37], %broadcast_in_dim3A_8 {add = true} : memref<4096xf32, #tpu.memory_space<vmem>>[vector<16xi32>], vector<16xf32>,
      %parallel_loop3A_38 = arith.index_cast %parallel_loop3A_19 : i32 to index
      %parallel_loop3A_39 = arith.constant 48 : index
      %parallel_loop3A_40 = tpu.vector_load %arg4[%parallel_loop3A_38, %parallel_loop3A_39] {strides = array<i32>} : memref<128x100xi32, #tpu.memory_space<vmem>>, vector<16xi32>,
      %parallel_loop3A_41 = arith.addi %parallel_loop3A_25, %parallel_loop3A_40 : vector<16xi32>
      tpu.vector_store_idx %arg5[%parallel_loop3A_41], %broadcast_in_dim3A_8 {add = true} : memref<4096xf32, #tpu.memory_space<vmem>>[vector<16xi32>], vector<16xf32>,
      %parallel_loop3A_42 = arith.index_cast %parallel_loop3A_19 : i32 to index
      %parallel_loop3A_43 = arith.constant 64 : index
      %parallel_loop3A_44 = tpu.vector_load %arg4[%parallel_loop3A_42, %parallel_loop3A_43] {strides = array<i32>} : memref<128x100xi32, #tpu.memory_space<vmem>>, vector<16xi32>,
      %parallel_loop3A_45 = arith.addi %parallel_loop3A_25, %parallel_loop3A_44 : vector<16xi32>
      tpu.vector_store_idx %arg5[%parallel_loop3A_45], %broadcast_in_dim3A_8 {add = true} : memref<4096xf32, #tpu.memory_space<vmem>>[vector<16xi32>], vector<16xf32>,
      %parallel_loop3A_46 = arith.index_cast %parallel_loop3A_19 : i32 to index
      %parallel_loop3A_47 = arith.constant 80 : index
      %parallel_loop3A_48 = tpu.vector_load %arg4[%parallel_loop3A_46, %parallel_loop3A_47] {strides = array<i32>} : memref<128x100xi32, #tpu.memory_space<vmem>>, vector<16xi32>,
      %parallel_loop3A_49 = arith.addi %parallel_loop3A_25, %parallel_loop3A_48 : vector<16xi32>
      tpu.vector_store_idx %arg5[%parallel_loop3A_49], %broadcast_in_dim3A_8 {add = true} : memref<4096xf32, #tpu.memory_space<vmem>>[vector<16xi32>], vector<16xf32>,
      %parallel_loop3A_50 = arith.index_cast %parallel_loop3A_19 : i32 to index
      %parallel_loop3A_51 = arith.constant 84 : index
      %parallel_loop3A_52 = tpu.vector_load %arg4[%parallel_loop3A_50, %parallel_loop3A_51] {strides = array<i32>} : memref<128x100xi32, #tpu.memory_space<vmem>>, vector<16xi32>,
      %parallel_loop3A_53 = arith.addi %parallel_loop3A_25, %parallel_loop3A_52 : vector<16xi32>
      %parallel_loop3A_54 = arith.constant 12 : i32
      %parallel_loop3A_55 = vector.broadcast %parallel_loop3A_54 : i32 to vector<16xi32>
      %parallel_loop3A_56 = arith.cmpi sge, %iota3A, %parallel_loop3A_55 : vector<16xi32>
      tpu.vector_store_idx %arg5[%parallel_loop3A_53], %broadcast_in_dim3A_8 masked %parallel_loop3A_56 {add = true} : memref<4096xf32, #tpu.memory_space<vmem>>[vector<16xi32>], vector<16xf32>, vector<16xi1>
      %parallel_loop3A_57 = arith.constant 15 : i32
      %parallel_loop3A_58 = vector.broadcast %parallel_loop3A_57 : i32 to vector<16xi32>
      %parallel_loop3A_59 = arith.cmpi eq, %iota3A, %parallel_loop3A_58 : vector<16xi32>
      %parallel_loop3A_60 = arith.constant 13 : i32
      %parallel_loop3A_61 = vector.broadcast %parallel_loop3A_60 : i32 to vector<16xi32>
      %parallel_loop3A_62 = arith.cmpi sge, %parallel_loop3A_52, %parallel_loop3A_61 : vector<16xi32>
      %parallel_loop3A_63 = arith.andi %parallel_loop3A_59, %parallel_loop3A_62 : vector<16xi1>
      %parallel_loop3A_64 = arith.constant 22 : i32
      %parallel_loop3A_65 = vector.broadcast %parallel_loop3A_64 : i32 to vector<16xi32>
      %parallel_loop3A_66 = arith.addi %parallel_loop3A_25, %parallel_loop3A_65 : vector<16xi32>
      tpu.vector_store_idx %arg5[%parallel_loop3A_66], %broadcast_in_dim3A_8 masked %parallel_loop3A_63 {add = true} : memref<4096xf32, #tpu.memory_space<vmem>>[vector<16xi32>], vector<16xf32>, vector<16xi1>
    } {sc.loop_unroll_factor = 4 : i64, sc.parallel_access}
    %mul3A_17 = arith.constant 32 : i32
    %mul3A_18 = arith.muli %mul3A_2, %mul3A_17 : i32
    "tpu.region"() ({
      %run_scoped3A = tpu.sem_alloc : memref<!tpu.dma_semaphore, #tpu.memory_space<semaphore_mem>>
      %dma_start3A_19 = tpu.memref_slice %arg3[%mul3A_18] : memref<131072xf32, #tpu.memory_space<hbm>> -> memref<4096xf32, #tpu.memory_space<hbm>>
      %dma_start3A_20 = tpu.memref_slice %arg3[%mul3A_18] : memref<131072xf32, #tpu.memory_space<hbm>> -> memref<4096xf32, #tpu.memory_space<hbm>>
      tpu.enqueue_dma source(%arg5 : memref<4096xf32, #tpu.memory_space<vmem>>) target(%dma_start3A_20 : memref<4096xf32, #tpu.memory_space<hbm>>) target_semaphore(%run_scoped3A : memref<!tpu.dma_semaphore, #tpu.memory_space<semaphore_mem>>)
      %dma_wait3A_21 = tpu.memref_slice %arg3[%mul3A_18] : memref<131072xf32, #tpu.memory_space<hbm>> -> memref<4096xf32, #tpu.memory_space<hbm>>
      %dma_wait3A_22 = tpu.memref_slice %arg3[%mul3A_18] : memref<131072xf32, #tpu.memory_space<hbm>> -> memref<4096xf32, #tpu.memory_space<hbm>>
      tpu.wait_dma2 semaphore(%run_scoped3A : memref<!tpu.dma_semaphore, #tpu.memory_space<semaphore_mem>>) src(%arg5 : memref<4096xf32, #tpu.memory_space<vmem>>) dst(%dma_wait3A_22 : memref<4096xf32, #tpu.memory_space<hbm>>)
      tpu.yield
    }) : () -> ()
    return
  }
}

module attributes {stable_mosaic.version = 14 : i64} {
  func.func @_tc_body(%arg0: i32, %arg1: memref<512x32xf32, #tpu.memory_space<vmem>>, %arg2: memref<512x64xf32, #tpu.memory_space<vmem>>, %arg3: memref<32x128xf32, #tpu.memory_space<vmem>>, %arg4: memref<128x128xf32, #tpu.memory_space<vmem>>, %arg5: memref<64x128xf32, #tpu.memory_space<vmem>>, %arg6: memref<1x128xf32, #tpu.memory_space<vmem>>, %arg7: memref<128x22xf32, #tpu.memory_space<vmem>>, %arg8: memref<1x22xf32, #tpu.memory_space<vmem>>, %arg9: memref<1x32xf32, #tpu.memory_space<vmem>>, %arg10: memref<1x22xf32, #tpu.memory_space<vmem>>, %arg11: memref<1x22xf32, #tpu.memory_space<vmem>>, %arg12: memref<512x22xf32, #tpu.memory_space<vmem>>) attributes {dimension_semantics = [#tpu.dimension_semantics<arbitrary>], iteration_bounds = array<i64: 8>, scalar_prefetch = 0 : i64, scratch_operands = 0 : i64, tpu.core_type = #tpu.core_type<tc>, window_params = [{transform_indices = @transform_0, window_bounds = array<i64: 512, 32>}, {transform_indices = @transform_1, window_bounds = array<i64: 512, 64>}, {pipeline_mode = #tpu.pipeline_mode<synchronous>, transform_indices = @transform_2, window_bounds = array<i64: 32, 128>}, {pipeline_mode = #tpu.pipeline_mode<synchronous>, transform_indices = @transform_3, window_bounds = array<i64: 128, 128>}, {pipeline_mode = #tpu.pipeline_mode<synchronous>, transform_indices = @transform_4, window_bounds = array<i64: 64, 128>}, {pipeline_mode = #tpu.pipeline_mode<synchronous>, transform_indices = @transform_5, window_bounds = array<i64: 1, 128>}, {pipeline_mode = #tpu.pipeline_mode<synchronous>, transform_indices = @transform_6, window_bounds = array<i64: 128, 22>}, {pipeline_mode = #tpu.pipeline_mode<synchronous>, transform_indices = @transform_7, window_bounds = array<i64: 1, 22>}, {pipeline_mode = #tpu.pipeline_mode<synchronous>, transform_indices = @transform_8, window_bounds = array<i64: 1, 32>}, {pipeline_mode = #tpu.pipeline_mode<synchronous>, transform_indices = @transform_9, window_bounds = array<i64: 1, 22>}, {pipeline_mode = #tpu.pipeline_mode<synchronous>, transform_indices = @transform_10, window_bounds = array<i64: 1, 22>}, {transform_indices = @transform_11, window_bounds = array<i64: 512, 22>}]} {
    %get3A = arith.constant 0 : index
    %get3A_0 = arith.constant 0 : index
    %get3A_1 = vector.load %arg1[%get3A, %get3A_0] : memref<512x32xf32, #tpu.memory_space<vmem>>, vector<512x32xf32>
    %get3A_2 = arith.constant 0 : index
    %get3A_3 = arith.constant 0 : index
    %get3A_4 = vector.load %arg3[%get3A_2, %get3A_3] : memref<32x128xf32, #tpu.memory_space<vmem>>, vector<32x128xf32>
    %dot_general3A = arith.constant dense<0.000000e+00> : vector<512x128xf32>
    %dot_general3A_5 = tpu.matmul %get3A_1, %get3A_4, %dot_general3A {dimension_numbers = #tpu.dot_dimension_numbers<[1], [0], [0], [1], [0, 0, 1, 1], [], []>, transpose_lhs_hint = false} : vector<512x32xf32>, vector<32x128xf32>, vector<512x128xf32> -> vector<512x128xf32>
    %mul3A = arith.constant 0.00999999977 : f32
    %mul3A_6 = vector.broadcast %mul3A : f32 to vector<512x128xf32>
    %mul3A_7 = arith.mulf %dot_general3A_5, %mul3A_6 : vector<512x128xf32>
    %get3A_8 = arith.constant 0 : index
    %get3A_9 = arith.constant 0 : index
    %get3A_10 = vector.load %arg4[%get3A_8, %get3A_9] : memref<128x128xf32, #tpu.memory_space<vmem>>, vector<128x128xf32>
    %dot_general3A_11 = arith.constant dense<0.000000e+00> : vector<512x128xf32>
    %dot_general3A_12 = tpu.matmul %mul3A_7, %get3A_10, %dot_general3A_11 {dimension_numbers = #tpu.dot_dimension_numbers<[1], [0], [0], [1], [0, 0, 1, 1], [], []>, transpose_lhs_hint = false} : vector<512x128xf32>, vector<128x128xf32>, vector<512x128xf32> -> vector<512x128xf32>
    %get3A_13 = arith.constant 0 : index
    %get3A_14 = arith.constant 0 : index
    %get3A_15 = vector.load %arg2[%get3A_13, %get3A_14] : memref<512x64xf32, #tpu.memory_space<vmem>>, vector<512x64xf32>
    %get3A_16 = arith.constant 0 : index
    %get3A_17 = arith.constant 0 : index
    %get3A_18 = vector.load %arg5[%get3A_16, %get3A_17] : memref<64x128xf32, #tpu.memory_space<vmem>>, vector<64x128xf32>
    %dot_general3A_19 = arith.constant dense<0.000000e+00> : vector<512x128xf32>
    %dot_general3A_20 = tpu.matmul %get3A_15, %get3A_18, %dot_general3A_19 {dimension_numbers = #tpu.dot_dimension_numbers<[1], [0], [0], [1], [0, 0, 1, 1], [], []>, transpose_lhs_hint = false} : vector<512x64xf32>, vector<64x128xf32>, vector<512x128xf32> -> vector<512x128xf32>
    %add3A = arith.addf %dot_general3A_12, %dot_general3A_20 : vector<512x128xf32>
    %get3A_21 = arith.constant 0 : index
    %get3A_22 = arith.constant 0 : index
    %get3A_23 = vector.load %arg6[%get3A_21, %get3A_22] : memref<1x128xf32, #tpu.memory_space<vmem>>, vector<1x128xf32>
    %add3A_24 = vector.broadcast %get3A_23 : vector<1x128xf32> to vector<512x128xf32>
    %add3A_25 = arith.addf %add3A, %add3A_24 : vector<512x128xf32>
    %tanh3A = math.tanh %add3A_25 : vector<512x128xf32>
    %get3A_26 = arith.constant 0 : index
    %get3A_27 = arith.constant 0 : index
    %get3A_28 = vector.load %arg7[%get3A_26, %get3A_27] : memref<128x22xf32, #tpu.memory_space<vmem>>, vector<128x22xf32>
    %dot_general3A_29 = arith.constant dense<0.000000e+00> : vector<512x22xf32>
    %dot_general3A_30 = tpu.matmul %tanh3A, %get3A_28, %dot_general3A_29 {dimension_numbers = #tpu.dot_dimension_numbers<[1], [0], [0], [1], [0, 0, 1, 1], [], []>, transpose_lhs_hint = false} : vector<512x128xf32>, vector<128x22xf32>, vector<512x22xf32> -> vector<512x22xf32>
    %get3A_31 = arith.constant 0 : index
    %get3A_32 = arith.constant 0 : index
    %get3A_33 = vector.load %arg8[%get3A_31, %get3A_32] : memref<1x22xf32, #tpu.memory_space<vmem>>, vector<1x22xf32>
    %add3A_34 = vector.broadcast %get3A_33 : vector<1x22xf32> to vector<512x22xf32>
    %add3A_35 = arith.addf %dot_general3A_30, %add3A_34 : vector<512x22xf32>
    %get3A_36 = arith.constant 0 : index
    %get3A_37 = arith.constant 0 : index
    %get3A_38 = vector.load %arg9[%get3A_36, %get3A_37] : memref<1x32xf32, #tpu.memory_space<vmem>>, vector<1x32xf32>
    %mul3A_39 = vector.broadcast %get3A_38 : vector<1x32xf32> to vector<512x32xf32>
    %mul3A_40 = arith.mulf %get3A_1, %mul3A_39 : vector<512x32xf32>
    %reduce_sum3A = arith.constant dense<0.000000e+00> : vector<512xf32>
    %reduce_sum3A_41 = vector.multi_reduction <add>, %mul3A_40, %reduce_sum3A [1] : vector<512x32xf32> to vector<512xf32>
    %broadcast_in_dim3A = vector.shape_cast %reduce_sum3A_41 : vector<512xf32> to vector<512x1xf32>
    %get3A_42 = arith.constant 0 : index
    %get3A_43 = arith.constant 0 : index
    %get3A_44 = vector.load %arg10[%get3A_42, %get3A_43] : memref<1x22xf32, #tpu.memory_space<vmem>>, vector<1x22xf32>
    %mul3A_45 = vector.broadcast %broadcast_in_dim3A : vector<512x1xf32> to vector<512x22xf32>
    %mul3A_46 = vector.broadcast %get3A_44 : vector<1x22xf32> to vector<512x22xf32>
    %mul3A_47 = arith.mulf %mul3A_45, %mul3A_46 : vector<512x22xf32>
    %sub3A = arith.constant 9.900000e+01 : f32
    %sub3A_48 = vector.broadcast %sub3A : f32 to vector<512x1xf32>
    %sub3A_49 = arith.subf %sub3A_48, %broadcast_in_dim3A : vector<512x1xf32>
    %get3A_50 = arith.constant 0 : index
    %get3A_51 = arith.constant 0 : index
    %get3A_52 = vector.load %arg11[%get3A_50, %get3A_51] : memref<1x22xf32, #tpu.memory_space<vmem>>, vector<1x22xf32>
    %mul3A_53 = vector.broadcast %sub3A_49 : vector<512x1xf32> to vector<512x22xf32>
    %mul3A_54 = vector.broadcast %get3A_52 : vector<1x22xf32> to vector<512x22xf32>
    %mul3A_55 = arith.mulf %mul3A_53, %mul3A_54 : vector<512x22xf32>
    %add3A_56 = arith.addf %mul3A_47, %mul3A_55 : vector<512x22xf32>
    %mul3A_57 = arith.constant 5.000000e-01 : f32
    %mul3A_58 = vector.broadcast %mul3A_57 : f32 to vector<512x22xf32>
    %mul3A_59 = arith.mulf %mul3A_58, %add3A_56 : vector<512x22xf32>
    %sub3A_60 = arith.subf %add3A_35, %mul3A_59 : vector<512x22xf32>
    %swap3A = arith.constant 0 : index
    %swap3A_61 = arith.constant 0 : index
    %swap3A_62 = vector.load %arg12[%swap3A, %swap3A_61] : memref<512x22xf32, #tpu.memory_space<vmem>>, vector<512x22xf32>
    tpu.vector_store %arg12[%swap3A, %swap3A_61], %sub3A_60 {strides = array<i32>} : memref<512x22xf32, #tpu.memory_space<vmem>>, vector<512x22xf32>,
    return
  }
  func.func @transform_0(%arg0: i32) -> (i32, i32) {
    %c0_i32 = arith.constant 0 : i32
    %c0_i32_0 = arith.constant 0 : i32
    return %arg0, %c0_i32 : i32, i32
  }
  func.func @transform_1(%arg0: i32) -> (i32, i32) {
    %c0_i32 = arith.constant 0 : i32
    %c0_i32_0 = arith.constant 0 : i32
    return %arg0, %c0_i32 : i32, i32
  }
  func.func @transform_2(%arg0: i32) -> (i32, i32) {
    %c0_i32 = arith.constant 0 : i32
    %c0_i32_0 = arith.constant 0 : i32
    %c0_i32_1 = arith.constant 0 : i32
    return %c0_i32, %c0_i32_0 : i32, i32
  }
  func.func @transform_3(%arg0: i32) -> (i32, i32) {
    %c0_i32 = arith.constant 0 : i32
    %c0_i32_0 = arith.constant 0 : i32
    %c0_i32_1 = arith.constant 0 : i32
    return %c0_i32, %c0_i32_0 : i32, i32
  }
  func.func @transform_4(%arg0: i32) -> (i32, i32) {
    %c0_i32 = arith.constant 0 : i32
    %c0_i32_0 = arith.constant 0 : i32
    %c0_i32_1 = arith.constant 0 : i32
    return %c0_i32, %c0_i32_0 : i32, i32
  }
  func.func @transform_5(%arg0: i32) -> (i32, i32) {
    %c0_i32 = arith.constant 0 : i32
    %c0_i32_0 = arith.constant 0 : i32
    %c0_i32_1 = arith.constant 0 : i32
    return %c0_i32, %c0_i32_0 : i32, i32
  }
  func.func @transform_6(%arg0: i32) -> (i32, i32) {
    %c0_i32 = arith.constant 0 : i32
    %c0_i32_0 = arith.constant 0 : i32
    %c0_i32_1 = arith.constant 0 : i32
    return %c0_i32, %c0_i32_0 : i32, i32
  }
  func.func @transform_7(%arg0: i32) -> (i32, i32) {
    %c0_i32 = arith.constant 0 : i32
    %c0_i32_0 = arith.constant 0 : i32
    %c0_i32_1 = arith.constant 0 : i32
    return %c0_i32, %c0_i32_0 : i32, i32
  }
  func.func @transform_8(%arg0: i32) -> (i32, i32) {
    %c0_i32 = arith.constant 0 : i32
    %c0_i32_0 = arith.constant 0 : i32
    %c0_i32_1 = arith.constant 0 : i32
    return %c0_i32, %c0_i32_0 : i32, i32
  }
  func.func @transform_9(%arg0: i32) -> (i32, i32) {
    %c0_i32 = arith.constant 0 : i32
    %c0_i32_0 = arith.constant 0 : i32
    %c0_i32_1 = arith.constant 0 : i32
    return %c0_i32, %c0_i32_0 : i32, i32
  }
  func.func @transform_10(%arg0: i32) -> (i32, i32) {
    %c0_i32 = arith.constant 0 : i32
    %c0_i32_0 = arith.constant 0 : i32
    %c0_i32_1 = arith.constant 0 : i32
    return %c0_i32, %c0_i32_0 : i32, i32
  }
  func.func @transform_11(%arg0: i32) -> (i32, i32) {
    %c0_i32 = arith.constant 0 : i32
    %c0_i32_0 = arith.constant 0 : i32
    return %arg0, %c0_i32 : i32, i32
  }
}

</mosaic_0001>

<sc_bundles>
// kernel: kernel.4.cloned.1.call-start
scs
__scs_entry_jumppad:
0x0: {  	(pc) =	sbr.rel $0x88, $3  }
0x1: {  	(tag) =	ssettag $0x0;
	lr =	simm.s32 $0x1  }
0x2: {  	[smem:$0x3F99] =	sst lr;
	_ =	strace $0xD0000000  }
0x3: {  	_ = 	snop  }
0x4: {  	_ = 	snop  }
0x5: {  	_ = 	snop  }
0x6: {  	_ = 	snop  }
0x7: {  	_ = 	snop  }
__scs_overlays_trampoline_lowered:
0x8: {  	[smem:$0x3FA8] =	sst s0  }
0x9: {  	[smem:$0x3FA9] =	sst s1  }
0xa: {  	[smem:$0x3FAA] =	sst s2  }
0xb: {  	[smem:$0x3FAB] =	sst s3  }
0xc: {  	[smem:$0x3FAC] =	sst s4  }
0xd: {  	[smem:$0x3FAD] =	sst s5  }
0xe: {  	[smem:$0x3FAE] =	sst s6  }
0xf: {  	[smem:$0x3FAF] =	sst s7  }
0x10: {  	[smem:$0x3FB0] =	sst s8  }
0x11: {  	[smem:$0x3FB1] =	sst s9;
	s0 =	simm.s32 @!p0 $0x0  }
0x12: {  	s1 =	sld [smem:$0x3F97];
	s0 =	simm.s32 @p0 $0x1  }
0x13: {  	[smem:$0x3FB2] =	sst s0;
	s0 =	simm.s32 @!p1 $0x0  }
0x14: {  	s2 =	sld [smem:$0x3F96];
	s0 =	simm.s32 @p1 $0x1  }
0x15: {  	[smem:$0x3FB3] =	sst s0;
	s0 =	simm.s32 @!p2 $0x0  }
0x16: {  	s3 =	sld [smem:$0x3FDB];
	s0 =	simm.s32 @p2 $0x1  }
0x17: {  	s4 =	simm.s32 $0x1BF5;
	[smem:$0x3FB5] =	sst s0  }
0x18: {  	s0 =	sld [smem:$0x3F98];
	_ =	swait.ge [sflag:s4], $0x0  }
0x19: {  	s7 =	sld [smem:$0x3F99]  }
0x1a: {  	s8 =	sadd.s32 $0xFFFFE003, lr  }
0x1b: {  	s9 =	sadd.s32 $0xFFFFFEF7, lr;
	s5 =	simm.s32 $0xFFFFFFFF;
	p2 =	slt.u32 s8, $0xFFFFF086  }
0x1c: {  	p1 =	slt.u32 s9, $0xF7A;
	s5 =	simm.s32 @!p2 $0x0  }
0x1d: {  	s5 =	simm.s32 @p1 $0x1;
	p0 =	seq.s32 s7, s2  }
0x1e: {  	s7 =	smul.u32 @!p0 $0xF7A, s2;
	p2 =	seq.s32 @!p0 s5, $0x0  }
0x1f: {  	s9 =	smul.u32 $0xF7A, s1;
	s8 =	simm.s32 @!p0 $0x1BF5;
	p2 =	por !p2, p0  }
0x20: {  	[sflag:s8] =	ssyncset.s32 @!p0 $0xFFFFF086;
	s6 =	sadd.s32 @!p0 s3, s7;
	s7 =	simm.s32 @!p0 $0x108  }
0x21: {  	s3 =	sadd.s32 s3, s9;
	s6 =	sadd.s32 @!p0 $0x88, s6;
	s7 =	simm.s32 @p2 $0x1082  }
0x22: {  	[simem:s7], [sflag:s8] =	dma.local @!p0 [hbm:s6], $0xF7A  }
0x23: {  	s9 =	sor.u32 $0xD0000000, s2;
	s6 =	simm.s32 $0x108;
	_ =	swait.ge @!p0 [sflag:s8], $0x0  }
0x24: {  	s3 =	sadd.s32 $0x88, s3;
	s6 =	simm.s32 @!p1 $0x1082;
	[sflag:s4] =	ssyncset.s32 $0xFFFFF086  }
0x25: {  	[simem:s6], [sflag:s4] =	dma.local [hbm:s3], $0xF7A  }
0x26: {  	[smem:$0x3F99] =	sst s1;
	(tag) =	ssettag s2;
	_ =	strace s9  }
0x27: {  	s1 =	sld [smem:$0x3FA9]  }
0x28: {  	s2 =	sld [smem:$0x3FAA]  }
0x29: {  	s4 =	sld [smem:$0x3FAC]  }
0x2a: {  	p0 =	seq.s32 s5, $0x0;
	s5 =	sld [smem:$0x3FAD]  }
0x2b: {  	s6 =	sld [smem:$0x3FAE]  }
0x2c: {  	s7 =	sld [smem:$0x3FAF]  }
0x2d: {  	s3 =	simm.s32 $0x108;
	s8 =	sld [smem:$0x3FB0]  }
0x2e: {  	s3 =	simm.s32 @!p0 $0x1082;
	s9 =	sld [smem:$0x3FB1]  }
0x2f: {  	lr =	sadd.s32 s0, s3;
	s0 =	sld [smem:$0x3FA8]  }
0x30: {  	s3 =	sld [smem:$0x3FAB]  }
0x31: {  	[smem:$0x3FB4] =	sst s10  }
0x32: {  	s10 =	sld [smem:$0x3FB2];
	_ =	sdelay $0x3  }
0x33: {  	p0 =	seq.s32 s10, $0x1;
	s10 =	sld [smem:$0x3FB4];
	_ =	sdelay $0x3  }
0x34: {  	[smem:$0x3FB4] =	sst s10  }
0x35: {  	s10 =	sld [smem:$0x3FB3];
	_ =	sdelay $0x3  }
0x36: {  	p1 =	seq.s32 s10, $0x1;
	s10 =	sld [smem:$0x3FB4];
	_ =	sdelay $0x3  }
0x37: {  	[smem:$0x3FB4] =	sst s10  }
0x38: {  	s10 =	sld [smem:$0x3FB5]  }
0x39: {  	_ = 	snop;
	(pc) =	sbr.ind lr, $3  }
0x3a: {  	_ = 	snop  }
0x3b: {  	_ = 	snop  }
0x3c: {  	p2 =	seq.s32 s10, $0x1;
	s10 =	sld [smem:$0x3FB4]  }
0x3d: {  	_ =	shalt  }
0x3e: {  	_ =	shalt  }
0x3f: {  	_ =	shalt  }
0x40: {  	_ =	shalt  }
0x41: {  	_ =	shalt  }
0x42: {  	_ =	shalt  }
0x43: {  	_ =	shalt  }
0x44: {  	_ =	shalt  }
0x45: {  	_ =	shalt  }
0x46: {  	_ =	shalt  }
0x47: {  	_ =	shalt  }
0x48: {  	_ =	shalt  }
0x49: {  	_ =	shalt  }
0x4a: {  	_ =	shalt  }
0x4b: {  	_ =	shalt  }
0x4c: {  	_ =	shalt  }
0x4d: {  	_ =	shalt  }
0x4e: {  	_ =	shalt  }
0x4f: {  	_ =	shalt  }
0x50: {  	_ =	shalt  }
0x51: {  	_ =	shalt  }
0x52: {  	_ =	shalt  }
0x53: {  	_ =	shalt  }
0x54: {  	_ =	shalt  }
0x55: {  	_ =	shalt  }
0x56: {  	_ =	shalt  }
0x57: {  	_ =	shalt  }
0x58: {  	_ =	shalt  }
0x59: {  	_ =	shalt  }
0x5a: {  	_ =	shalt  }
0x5b: {  	_ =	shalt  }
0x5c: {  	_ =	shalt  }
0x5d: {  	_ =	shalt  }
0x5e: {  	_ =	shalt  }
0x5f: {  	_ =	shalt  }
0x60: {  	_ =	shalt  }
0x61: {  	_ =	shalt  }
0x62: {  	_ =	shalt  }
0x63: {  	_ =	shalt  }
0x64: {  	_ =	shalt  }
0x65: {  	_ =	shalt  }
0x66: {  	_ =	shalt  }
0x67: {  	_ =	shalt  }
0x68: {  	_ =	shalt  }
0x69: {  	_ =	shalt  }
0x6a: {  	_ =	shalt  }
0x6b: {  	_ =	shalt  }
0x6c: {  	_ =	shalt  }
0x6d: {  	_ =	shalt  }
0x6e: {  	_ =	shalt  }
0x6f: {  	_ =	shalt  }
0x70: {  	_ =	shalt  }
0x71: {  	_ =	shalt  }
0x72: {  	_ =	shalt  }
0x73: {  	_ =	shalt  }
0x74: {  	_ =	shalt  }
0x75: {  	_ =	shalt  }
0x76: {  	_ =	shalt  }
0x77: {  	_ =	shalt  }
0x78: {  	_ =	shalt  }
0x79: {  	_ =	shalt  }
0x7a: {  	_ =	shalt  }
0x7b: {  	_ =	shalt  }
0x7c: {  	_ =	shalt  }
0x7d: {  	_ =	shalt  }
0x7e: {  	_ =	shalt  }
0x7f: {  	_ =	shalt  }
0x80: {  	_ =	shalt  }
0x81: {  	_ =	shalt  }
0x82: {  	_ =	shalt  }
0x83: {  	_ =	shalt  }
0x84: {  	_ =	shalt  }
0x85: {  	_ =	shalt  }
0x86: {  	_ =	shalt  }
0x87: {  	_ =	shalt  }
.Lfunc_end0:
.L_simem_size_0:
called_computation_lowered:
.L_overlay_start_0:
0x88: {  	s2 =	sld [smem:$0x3FD9]  }
0x89: {  	s3 =	sld [smem:$0x3FFE];
	_ =	sdelay $0x1  }
0x8a: {  	s1 =	srdreg.scid  }
0x8b: {  	s0 =	sand.u32 $0x1, s1  }
0x8c: {  	s16 =	sshll.u32 s0, $0xA;
	s2 =	sadd.s32 s3, s2  }
0x8d: {  	s2 =	sadd.s32 s2, s16  }
0x8e: {  	[smem:$0x3FC0] =	sst s2  }
0x8f: {  	_ = 	snop  }
0x90: {  	(tm) =	ssettm $0x1  }
0x91: {  	s17 =	sld [smem:$0x3FFB];
	_ =	sdelay $0x3  }
0x92: {  	_ =	strace s17  }
0x93: {  	s2 =	sld [smem:$0x3FFC];
	_ =	sdelay $0x3  }
0x94: {  	_ =	strace s2  }
0x95: {  	s2 =	sld [smem:$0x3FFD];
	_ =	sdelay $0x3  }
0x96: {  	_ =	strace s2  }
0x97: {  	_ =	strace $0x8FFFFFFF  }
0x98: {  	s18 =	sld [smem:$0x3FDB];
	_ =	sdelay $0x1  }
0x99: {  	s19 =	simm.s32 $_scs_section_size  }
0x9a: {  	s4 =	simm.s32 $_size__tile_overlayer_lowered;
	s5 =	simm.s32 $_tile_overlayer_lowered  }
0x9b: {  	s22 =	simm.s32 $0x1BFF;
	s21 =	sshll.u32 s5, $0x1;
	s2 =	sadd.s32 s19, s18  }
0x9c: {  	s6 =	simm.s32 $0x0;
	s20 =	sshll.u32 s4, $0x1;
	s4 =	sadd.s32 s21, s2  }
0x9d: {  	[timem:s6], [sflag:s22] =	dma.local [hbm:s4], s20  }
0x9e: {  	_ =	swait.ge [sflag:s22], s20  }
0x9f: {  	s3 =	ssub.s32 $0x0, s20;
	[sflag:s22] =	ssyncset.done $0x0  }
0xa0: {  	[sflag:s22] =	ssyncadd.s32 s3;
	_ =	sdelay $0x1  }
0xa1: {  	s23 =	simm.s32 $0x1B8B  }
0xa2: {  	_ =	swait.ge [sflag:s23], $0x1  }
0xa3: {  	[sflag:s23] =	ssyncset.done $0x0  }
0xa4: {  	s25 =	simm.s32 $0x1B8E;
	s24 =	sld [smem:$0x3FFE];
	[sflag:s23] =	ssyncadd.s32 $0xFFFFFFFF  }
0xa5: {  	s26 =	simm.s32 $execute0_lowered;
	[smem:$0x3FD2] =	sst s25  }
0xa6: {  	s4 =	sshll.u32 s26, $0x1;
	_ =	strace $0x80000046;
	[dreg:$0x1] =	wrdreg $0xFFFFFFFF  }
0xa7: {  	s28 =	simm.s32 $_size_execute0_lowered;
	s2 =	sadd.s32 s2, s4;
	[dreg:$0x0] =	wrdreg $0x0  }
0xa8: {  	s4 =	sshll.u32 s28, $0x1;
	[dreg:$0x2] =	wrdreg s2  }
0xa9: {  	[dreg:$0x3] =	wrdreg s4  }
0xaa: {  	[dreg:$0x4] =	wrdreg $0xC0  }
0xab: {  	_ =	task [dreg:s6], $0x5FFFF  }
0xac: {  	[dreg:$0x1] =	wrdreg $0xFFFFFFFF  }
0xad: {  	[dreg:$0x0] =	wrdreg $0x60  }
0xae: {  	[dreg:$0x2] =	wrdreg s24  }
0xaf: {  	[dreg:$0x3] =	wrdreg $0x9  }
0xb0: {  	_ =	task.clear_ibuf [dreg:s6], $0x4FFFF;
	_ =	strace $0x90000046  }
0xb1: {  	s29 =	simm.s32 $0x9;
	_ =	strace $0x80000048  }
0xb2: {  	_ =	swait.ge [sflag:s29], $0x1  }
0xb3: {  	[sflag:s29] =	ssyncadd.s32 $0xFFFFFFFF  }
0xb4: {  	_ =	strace $0x90000048  }
0xb5: {  	_ =	sfence  }
0xb6: {  	s30 =	sld [smem:$0x0];
	_ =	sdelay $0x2  }
0xb7: {  	s31 =	sshll.u32 s1, $0xD;
	s1 =	sshrl.u32 s1, $0x2  }
0xb8: {  	s3 =	sand.u32 $0x4000, s31;
	s1 =	sadd.s32 s1, s30  }
0xb9: {  	s0 =	sor.u32 s3, s0;
	s1 =	sshll.u32 s1, $0x11  }
0xba: {  	s0 =	sor.u32 s1, s0  }
0xbb: {  	s0 =	sadd.s32 $0x8F2B, s0  }
0xbc: {  	[sflag:s0] =	ssyncadd.remote.s32 $0x1  }
0xbd: {  	_ =	sfence.sel $0xFFFF  }
0xbe: {  	[dreg:$0x0] =	wrdreg $0xFFFFFFFF;
	(pc) =	sbr.abs _section_cstart, $3  }
0xbf: {  	[dreg:$0x1] =	wrdreg $0xFFFFFFFF  }
0xc0: {  	_ =	task.clear_ibuf [dreg:s6], $0x2FFFF;
	_ =	strace $0x9FFFFFFF  }
0xc1: {  	(tm) =	ssettm $0x7FFFFFFF  }
tec
execute0_lowered:
.L_overlay_start_1:
0x0: {  	(tag) =	ssettag $0x1  }
0x1: {  	s3 =	rddreg [dreg:$0x0]  }
0x2: {  	s0 =	rddreg [dreg:$0x1];
	s4 =	srdreg.scid  }
0x3: {  	s1 =	stileid.u32;
	s2 =	simm.s32 $0x0;
	s8 =	simm.s32 $0x2  }
0x4: {  	s4 =	sand.u32 $0x1, s4;
	s5 =	sshll.u32 s1, $0x1;
	[smem:$0x7FF] =	sst s2  }
0x5: {  	s9 =	simm.s32 $0x0;
	s5 =	sor.u32 s4, s5;
	_ =	strace $0x80000047  }
0x6: {  	s4 =	ssub.s32 $0x2, s4;
	s6 =	sshll.u32 s5, $0xB;
	s5 =	sshll.u32 s5, $0x9  }
0x7: {  	s7 =	sshrl.u32 s4, $0x1;
	s6 =	sadd.s32 s6, s3;
	s5 =	sadd.s32 s5, s3  }
0x8: {  	v0 =	vimm.f32 $0.0e+00;
	s7 =	ssub.s32 s4, s7;
	s3 =	sadd.s32 $0x1800, s6;
	s4 =	sadd.s32 $0x11800, s5  }
0x9: {  	v1 =	vimm.f32 $1.000000000e+00;
	vm0 =	vcmask $0x3F30;
	vm1 =	vcmask $0x3F3C;
	s5 =	smax.u32 s7, $0x1;
	s6 =	simm.s32 $0x1;
	s7 =	simm.s32 $0x4000  }
.LBB2_1:
0xa: {  	[tilespmem:s2], [sflag:$0x1] =	stream.linear.gather [hbm4b:s3+s2], $0x4000, $0x38;
	[tilespmem:$0x5000] =	vst v63  }
0xb: {  	s10 =	simm.s32 $0x4040  }
0xc: {  	[tilespmem:s10+$0xFFFFFFC0] =	vst v0  }
0xd: {  	[tilespmem:s10+$0x30] =	vst v0  }
0xe: {  	[tilespmem:s10+$0x20] =	vst v0  }
0xf: {  	[tilespmem:s10+$0x10] =	vst v0  }
0x10: {  	[tilespmem:s10+$0x0] =	vst v0  }
0x11: {  	[tilespmem:s10+$0xFFFFFFF0] =	vst v0  }
0x12: {  	s11 =	simm.s32 $0x0;
	[tilespmem:s10+$0xFFFFFFE0] =	vst v0  }
.LBB2_2:
0x13: {  	s11 =	sadd.s32 $0x8, s11;
	[tilespmem:s10+$0xFFFFFFD0] =	vst v0;
	s10 =	sadd.s32 $0x80, s10  }
0x14: {  	[tilespmem:s10+$0xFFFFFFC0] =	vst v0;
	p0 =	slt.u32 s11, $0xF8  }
0x15: {  	[tilespmem:s10+$0x30] =	vst v0  }
.Ltmp0:
0x16: {  	[tilespmem:s10+$0x20] =	vst v0;
	(pc) =	sbr.rel @p0 .LBB2_2-.Ltmp0, $4  }
0x17: {  	[tilespmem:s10+$0x10] =	vst v0  }
0x18: {  	[tilespmem:s10+$0x0] =	vst v0  }
0x19: {  	[tilespmem:s10+$0xFFFFFFF0] =	vst v0  }
0x1a: {  	[tilespmem:s10+$0xFFFFFFE0] =	vst v0  }
0x1b: {  	[tilespmem:s10+$0xFFFFFFD0] =	vst v0  }
0x1c: {  	_ =	swait.ge [sflag:s6], $0x4000  }
0x1d: {  	[sflag:s6] =	ssyncset.done $0x0  }
0x1e: {  	s13 =	simm.s32 $0x100;
	[sflag:s6] =	ssyncadd.s32 $0xFFFFC000  }
0x1f: {  	v2 =	vld [tilespmem:s13+$0x80];
	_ =	sdelay $0x1  }
0x20: {  	v3 =	vld [tilespmem:s13+$0xFFFFFF00]  }
0x21: {  	v4 =	vld [tilespmem:s13+$0xFFFFFF80]  }
0x22: {  	s10 =	simm.s32 $0x60  }
0x23: {  	v2 =	vadd.s32 s10, v2  }
0x24: {  	s15 =	simm.s32 $0x0  }
0x25: {  	s14 =	simm.s32 $0x20;
	v3 =	vadd.s32 s15, v3  }
0x26: {  	v4 =	vadd.s32 s14, v4  }
0x27: {  	v5 =	vld [tilespmem:s13+$0x0]  }
0x28: {  	[tilespmem:v2+s7+$0x0] =	vst.idx.add.f32.msk $0xffff, v1  }
0x29: {  	v2 =	vld [tilespmem:s13+$0x90]  }
0x2a: {  	[tilespmem:v3+s7+$0x0] =	vst.idx.add.f32.msk $0xffff, v1  }
0x2b: {  	s11 =	simm.s32 $0x40;
	[tilespmem:v4+s7+$0x0] =	vst.idx.add.f32.msk $0xffff, v1  }
0x2c: {  	v3 =	vadd.s32 s11, v5;
	v5 =	vld [tilespmem:s13+$0xFFFFFF10]  }
0x2d: {  	v4 =	vld [tilespmem:s13+$0xFFFFFF90]  }
0x2e: {  	v2 =	vadd.s32 s10, v2;
	_ =	sdelay $0x2  }
0x2f: {  	[tilespmem:v3+s7+$0x0] =	vst.idx.add.f32.msk $0xffff, v1;
	v3 =	vadd.s32 s15, v5  }
0x30: {  	v5 =	vld [tilespmem:s13+$0x10];
	v4 =	vadd.s32 s14, v4  }
0x31: {  	[tilespmem:v2+s7+$0x0] =	vst.idx.add.f32.msk $0xffff, v1  }
0x32: {  	v2 =	vld [tilespmem:s13+$0xA0];
	_ =	sdelay $0x1  }
0x33: {  	[tilespmem:v3+s7+$0x0] =	vst.idx.add.f32.msk $0xffff, v1  }
0x34: {  	v3 =	vadd.s32 s11, v5;
	[tilespmem:v4+s7+$0x0] =	vst.idx.add.f32.msk $0xffff, v1  }
0x35: {  	v5 =	vld [tilespmem:s13+$0xFFFFFF20]  }
0x36: {  	v4 =	vld [tilespmem:s13+$0xFFFFFFA0];
	v2 =	vadd.s32 s10, v2;
	_ =	sdelay $0x2  }
0x37: {  	[tilespmem:v3+s7+$0x0] =	vst.idx.add.f32.msk $0xffff, v1  }
0x38: {  	v3 =	vadd.s32 s15, v5;
	v5 =	vld [tilespmem:s13+$0x20]  }
0x39: {  	v4 =	vadd.s32 s14, v4;
	[tilespmem:v2+s7+$0x0] =	vst.idx.add.f32.msk $0xffff, v1  }
0x3a: {  	s20 =	simm.s32 $0x300;
	v2 =	vld [tilespmem:s13+$0xB0]  }
0x3b: {  	v6 =	vld [tilespmem:s20+$0x80]  }
0x3c: {  	v7 =	vld [tilespmem:s20+$0x0]  }
0x3d: {  	[tilespmem:v3+s7+$0x0] =	vst.idx.add.f32.msk $0xffff, v1  }
0x3e: {  	v3 =	vadd.s32 s11, v5;
	[tilespmem:v4+s7+$0x0] =	vst.idx.add.f32.msk $0xffff, v1  }
0x3f: {  	v5 =	vld [tilespmem:s13+$0xFFFFFF30];
	v2 =	vadd.s32 s10, v2  }
0x40: {  	v4 =	vld [tilespmem:s13+$0xFFFFFFB0]  }
0x41: {  	s12 =	simm.s32 $0xE0;
	v8 =	vld [tilespmem:s20+$0xFFFFFF80]  }
0x42: {  	v9 =	vld [tilespmem:s20+$0xFFFFFF00];
	v6 =	vadd.s32 s12, v6  }
0x43: {  	[tilespmem:v3+s7+$0x0] =	vst.idx.add.f32.msk $0xffff, v1  }
0x44: {  	v3 =	vadd.s32 s15, v5;
	[tilespmem:v2+s7+$0x0] =	vst.idx.add.f32.msk $0xffff, v1  }
0x45: {  	v4 =	vadd.s32 s14, v4;
	v2 =	vld [tilespmem:s13+$0xC0]  }
0x46: {  	s16 =	simm.s32 $0xC0;
	v5 =	vld [tilespmem:s13+$0x30]  }
0x47: {  	[tilespmem:v6+s7+$0x0] =	vst.idx.add.f32.msk $0xffff, v1;
	v6 =	vadd.s32 s16, v7  }
0x48: {  	v10 =	vld [tilespmem:s20+$0x90]  }
0x49: {  	[tilespmem:v3+s7+$0x0] =	vst.idx.add.f32.msk $0xffff, v1  }
0x4a: {  	[tilespmem:v4+s7+$0x0] =	vst.idx.add.f32.msk $0xffff, v1;
	v2 =	vadd.s32 s10, v2  }
0x4b: {  	v3 =	vadd.s32 s11, v5;
	v5 =	vld [tilespmem:s13+$0xFFFFFFC0]  }
0x4c: {  	s21 =	simm.s32 $0x80;
	[tilespmem:v6+s7+$0x0] =	vst.idx.add.f32.msk $0xffff, v1  }
0x4d: {  	v4 =	vadd.s32 s21, v9;
	v9 =	vld [tilespmem:s20+$0x10]  }
0x4e: {  	s19 =	simm.s32 $0xA0;
	v12 =	vld [tilespmem:s13+$0xFFFFFF40]  }
0x4f: {  	[tilespmem:v2+s7+$0x0] =	vst.idx.add.f32.msk $0xffff, v1;
	v2 =	vadd.s32 s19, v8  }
0x50: {  	[tilespmem:v3+s7+$0x0] =	vst.idx.add.f32.msk $0xffff, v1;
	v8 =	vadd.s32 s14, v5  }
0x51: {  	v14 =	vld [tilespmem:s13+$0x40]  }
0x52: {  	v15 =	vld [tilespmem:s13+$0xD0]  }
0x53: {  	[tilespmem:v4+s7+$0x0] =	vst.idx.add.f32.msk $0xffff, v1;
	v13 =	vadd.s32 s15, v12  }
0x54: {  	[tilespmem:v2+s7+$0x0] =	vst.idx.add.f32.msk $0xffff, v1  }
0x55: {  	v7 =	vmov s15;
	v6 =	vmov s16;
	[tilespmem:v8+s7+$0x0] =	vst.idx.add.f32.msk $0xffff, v1;
	v8 =	vadd.s32 s12, v10  }
0x56: {  	v4 =	vmov s11;
	v3 =	vmov s21;
	v5 =	vmov s10;
	v11 =	vld [tilespmem:s13+$0xFFFFFFD0]  }
0x57: {  	s22 =	simm.s32 $0x4;
	s17 =	simm.s32 $0x300;
	s18 =	simm.s32 $0x80;
	v2 =	vmov s12;
	v10 =	vadd.s32 s11, v14;
	v14 =	vld [tilespmem:s20+$0xFFFFFF10];
	v12 =	vadd.s32 s10, v15  }
.LBB2_4:
0x58: {  	s22 =	sadd.s32 $0x4, s22;
	s20 =	sadd.s32 $0x200, s20;
	[tilespmem:v13+s7+$0x0] =	vst.idx.add.f32.msk $0xffff, v1  }
0x59: {  	v9 =	vadd.s32 s16, v9;
	p0 =	slt.u32 s22, $0x7C;
	v13 =	vld [tilespmem:s13+$0xFFFFFF50]  }
0x5a: {  	[tilespmem:v8+s7+$0x0] =	vst.idx.add.f32.msk $0xffff, v1  }
0x5b: {  	v8 =	vld [tilespmem:s17+$0xFFFFFF90];
	v11 =	vadd.s32 s14, v11  }
0x5c: {  	v14 =	vadd.s32 s21, v14;
	[tilespmem:v12+s7+$0x0] =	vst.idx.add.f32.msk $0xffff, v1  }
0x5d: {  	[tilespmem:v10+s7+$0x0] =	vst.idx.add.f32.msk $0xffff, v1  }
0x5e: {  	v10 =	vld [tilespmem:s13+$0x50]  }
0x5f: {  	s21 =	sadd.s32 $0x80, s21;
	[tilespmem:v9+s7+$0x0] =	vst.idx.add.f32.msk $0xffff, v1  }
0x60: {  	s23 =	sadd.s32 $0x60, s21;
	v13 =	vadd.s32 s15, v13;
	v9 =	vmov s21;
	v8 =	vadd.s32 s19, v8;
	v12 =	vld [tilespmem:s17+$0x20]  }
0x61: {  	v15 =	vmov s23;
	v16 =	vld [tilespmem:s17+$0xA0]  }
0x62: {  	[tilespmem:v14+s7+$0x0] =	vst.idx.add.f32.msk $0xffff, v1  }
0x63: {  	[tilespmem:v11+s7+$0x0] =	vst.idx.add.f32.msk $0xffff, v1;
	v10 =	vadd.s32 s11, v10  }
0x64: {  	v11 =	vld [tilespmem:s13+$0xFFFFFFD4]  }
0x65: {  	[tilespmem:v13+s7+$0x0] =	vst.idx.add.f32.msk $0xffff, v1  }
0x66: {  	v13 =	vadd.s32 s12, v16;
	v14 =	vld [tilespmem:s13+$0xFFFFFF54]  }
0x67: {  	[tilespmem:v8+s7+$0x0] =	vst.idx.add.f32.msk $0xffff, v1  }
0x68: {  	v8 =	vld [tilespmem:s17+$0xFFFFFF20]  }
0x69: {  	v16 =	vadd.s32 s14, v11;
	vm2 =	vgt.s32 v11, $0xC;
	[tilespmem:v10+s7+$0x0] =	vst.idx.add.f32.msk $0xffff, v1  }
0x6a: {  	v10 =	vadd.s32 s16, v12;
	v11 =	vld [tilespmem:s13+$0xD4]  }
0x6b: {  	vm2 =	vmand vm2, vm1;
	v12 =	vld [tilespmem:s17+$0xFFFFFFA0];
	v17 =	vadd.s32 s15, v14;
	vm3 =	vgt.s32 v14, $0xC;
	s15 =	smov.u32 s18;
	s18 =	smov.u32 s21  }
0x6c: {  	[tilespmem:v13+s7+$0x0] =	vst.idx.add.f32.msk $0xffff, v1;
	vm3 =	vmand vm3, vm1  }
0x6d: {  	v14 =	vmov s14;
	s14 =	smov.u32 s19;
	v13 =	vor.u32 $0x16, v7;
	v7 =	vmovc v3;
	v3 =	vmov v9;
	v18 =	vld [tilespmem:s13+$0x54];
	s13 =	smov.u32 s17;
	s17 =	smov.u32 s20  }
0x6e: {  	v14 =	vor.u32 $0x36, v14;
	v8 =	vadd.s32 s15, v8;
	v9 =	vld [tilespmem:s13+$0xB0]  }
0x6f: {  	v19 =	vld [tilespmem:s20+$0x80];
	v20 =	vadd.s32 s10, v11;
	vm4 =	vgt.s32 v11, $0xC;
	s10 =	smov.u32 s12;
	s12 =	smov.u32 s23  }
0x70: {  	v11 =	vadd.s32 s14, v12;
	[tilespmem:v17+s7+$0x0] =	vst.idx.add.f32.msk vm0, v1;
	vm4 =	vmand vm4, vm1  }
0x71: {  	v12 =	vor.u32 $0x76, v5;
	v5 =	vmov v2;
	v2 =	vmov v15;
	[tilespmem:v16+s7+$0x0] =	vst.idx.add.f32.msk vm0, v1  }
0x72: {  	[tilespmem:v13+s7+$0x0] =	vst.idx.add.f32.msk vm3, v1;
	v13 =	vadd.s32 s11, v18;
	vm3 =	vgt.s32 v18, $0xC;
	s11 =	smov.u32 s16  }
0x73: {  	v9 =	vadd.s32 s10, v9;
	[tilespmem:v14+s7+$0x0] =	vst.idx.add.f32.msk vm2, v1;
	vm2 =	vmand vm3, vm1;
	v14 =	vor.u32 $0x56, v4;
	v4 =	vmovc v6  }
0x74: {  	v6 =	vadd.s32 s12, v19;
	[tilespmem:v8+s7+$0x0] =	vst.idx.add.f32.msk $0xffff, v1  }
0x75: {  	[tilespmem:v20+s7+$0x0] =	vst.idx.add.f32.msk vm0, v1  }
0x76: {  	[tilespmem:v12+s7+$0x0] =	vst.idx.add.f32.msk vm4, v1  }
0x77: {  	[tilespmem:v13+s7+$0x0] =	vst.idx.add.f32.msk vm0, v1  }
0x78: {  	v8 =	vld [tilespmem:s13+$0xFFFFFF30]  }
0x79: {  	[tilespmem:v14+s7+$0x0] =	vst.idx.add.f32.msk vm2, v1  }
0x7a: {  	[tilespmem:v11+s7+$0x0] =	vst.idx.add.f32.msk $0xffff, v1  }
0x7b: {  	v11 =	vld [tilespmem:s13+$0xFFFFFFB0]  }
0x7c: {  	[tilespmem:v9+s7+$0x0] =	vst.idx.add.f32.msk $0xffff, v1  }
0x7d: {  	v9 =	vld [tilespmem:s13+$0xC0]  }
0x7e: {  	[tilespmem:v10+s7+$0x0] =	vst.idx.add.f32.msk $0xffff, v1  }
0x7f: {  	v8 =	vadd.s32 s15, v8;
	v10 =	vld [tilespmem:s13+$0x30]  }
0x80: {  	v12 =	vld [tilespmem:s20+$0x0]  }
0x81: {  	v11 =	vadd.s32 s14, v11;
	v13 =	vld [tilespmem:s20+$0xFFFFFF80]  }
0x82: {  	v14 =	vld [tilespmem:s20+$0xFFFFFF00];
	v9 =	vadd.s32 s10, v9  }
0x83: {  	[tilespmem:v6+s7+$0x0] =	vst.idx.add.f32.msk $0xffff, v1  }
0x84: {  	s16 =	sadd.s32 $0x40, s21;
	[tilespmem:v8+s7+$0x0] =	vst.idx.add.f32.msk $0xffff, v1;
	v8 =	vadd.s32 s11, v10  }
0x85: {  	s19 =	sadd.s32 $0x20, s21;
	v6 =	vmov s16;
	v10 =	vadd.s32 s16, v12;
	v12 =	vld [tilespmem:s20+$0x90]  }
0x86: {  	v15 =	vadd.s32 s19, v13;
	[tilespmem:v11+s7+$0x0] =	vst.idx.add.f32.msk $0xffff, v1  }
0x87: {  	v11 =	vadd.s32 s21, v14;
	v13 =	vld [tilespmem:s13+$0xFFFFFFC0]  }
0x88: {  	v14 =	vld [tilespmem:s13+$0xFFFFFF40]  }
0x89: {  	[tilespmem:v8+s7+$0x0] =	vst.idx.add.f32.msk $0xffff, v1  }
0x8a: {  	v8 =	vadd.s32 s12, v12;
	[tilespmem:v9+s7+$0x0] =	vst.idx.add.f32.msk $0xffff, v1  }
0x8b: {  	v12 =	vld [tilespmem:s13+$0x40]  }
0x8c: {  	[tilespmem:v11+s7+$0x0] =	vst.idx.add.f32.msk $0xffff, v1;
	v11 =	vadd.s32 s14, v13  }
0x8d: {  	[tilespmem:v10+s7+$0x0] =	vst.idx.add.f32.msk $0xffff, v1  }
0x8e: {  	v16 =	vld [tilespmem:s13+$0xD0]  }
.Ltmp1:
0x8f: {  	v13 =	vadd.s32 s15, v14;
	v9 =	vld [tilespmem:s20+$0x10];
	(pc) =	sbr.rel @p0 .LBB2_4-.Ltmp1, $4  }
0x90: {  	[tilespmem:v15+s7+$0x0] =	vst.idx.add.f32.msk $0xffff, v1;
	v10 =	vadd.s32 s11, v12  }
0x91: {  	[tilespmem:v11+s7+$0x0] =	vst.idx.add.f32.msk $0xffff, v1  }
0x92: {  	v11 =	vld [tilespmem:s13+$0xFFFFFFD0]  }
0x93: {  	v14 =	vld [tilespmem:s20+$0xFFFFFF10];
	v12 =	vadd.s32 s10, v16  }
0x94: {  	_ =	sdelay $0x2  }
0x95: {  	v15 =	vld [tilespmem:s17+$0xFFFFFF90]  }
0x96: {  	v14 =	vadd.s32 s21, v14  }
0x97: {  	[tilespmem:v13+s7+$0x0] =	vst.idx.add.f32.msk $0xffff, v1  }
0x98: {  	[tilespmem:v8+s7+$0x0] =	vst.idx.add.f32.msk $0xffff, v1  }
0x99: {  	[tilespmem:v12+s7+$0x0] =	vst.idx.add.f32.msk $0xffff, v1  }
0x9a: {  	[tilespmem:v10+s7+$0x0] =	vst.idx.add.f32.msk $0xffff, v1;
	v15 =	vadd.s32 s19, v15  }
0x9b: {  	[tilespmem:v14+s7+$0x0] =	vst.idx.add.f32.msk $0xffff, v1  }
0x9c: {  	v16 =	vadd.s32 s16, v9;
	v17 =	vld [tilespmem:s17+$0xFFFFFF20]  }
0x9d: {  	v13 =	vld [tilespmem:s13+$0xFFFFFF50]  }
0x9e: {  	v19 =	vld [tilespmem:s17+$0xA0]  }
0x9f: {  	[tilespmem:v15+s7+$0x0] =	vst.idx.add.f32.msk $0xffff, v1  }
0xa0: {  	v11 =	vadd.s32 s14, v11;
	v18 =	vld [tilespmem:s17+$0xFFFFFFA0]  }
0xa1: {  	[tilespmem:v16+s7+$0x0] =	vst.idx.add.f32.msk $0xffff, v1;
	v20 =	vadd.s32 s18, v17  }
0xa2: {  	v21 =	vld [tilespmem:s17+$0x20]  }
0xa3: {  	v22 =	vld [tilespmem:s13+$0x50];
	v10 =	vadd.s32 s12, v19  }
0xa4: {  	v40 =	vld [tilespmem:s13+$0xD4]  }
0xa5: {  	[tilespmem:v11+s7+$0x0] =	vst.idx.add.f32.msk $0xffff, v1;
	v12 =	vadd.s32 s19, v18  }
0xa6: {  	[tilespmem:v20+s7+$0x0] =	vst.idx.add.f32.msk $0xffff, v1  }
0xa7: {  	v23 =	vadd.s32 s16, v21;
	v24 =	vld [tilespmem:s17+$0xFFFFFF30]  }
0xa8: {  	[tilespmem:v10+s7+$0x0] =	vst.idx.add.f32.msk $0xffff, v1  }
0xa9: {  	v28 =	vld [tilespmem:s17+$0xB0]  }
0xaa: {  	v25 =	vadd.s32 s15, v13;
	[tilespmem:v12+s7+$0x0] =	vst.idx.add.f32.msk $0xffff, v1  }
0xab: {  	v27 =	vadd.s32 s11, v22;
	v26 =	vld [tilespmem:s17+$0xFFFFFFB0]  }
0xac: {  	[tilespmem:v23+s7+$0x0] =	vst.idx.add.f32.msk $0xffff, v1;
	v29 =	vadd.s32 s18, v24  }
0xad: {  	v30 =	vld [tilespmem:s17+$0x30]  }
0xae: {  	v11 =	vld [tilespmem:s13+$0xFFFFFFD4];
	v33 =	vadd.s32 s12, v28  }
0xaf: {  	[tilespmem:v25+s7+$0x0] =	vst.idx.add.f32.msk $0xffff, v1  }
0xb0: {  	[tilespmem:v27+s7+$0x0] =	vst.idx.add.f32.msk $0xffff, v1;
	v31 =	vadd.s32 s19, v26  }
0xb1: {  	[tilespmem:v29+s7+$0x0] =	vst.idx.add.f32.msk $0xffff, v1  }
0xb2: {  	v34 =	vadd.s32 s16, v30;
	v35 =	vld [tilespmem:s17+$0xFFFFFF40]  }
0xb3: {  	[tilespmem:v33+s7+$0x0] =	vst.idx.add.f32.msk $0xffff, v1  }
0xb4: {  	v37 =	vld [tilespmem:s17+$0xC0]  }
0xb5: {  	[tilespmem:v31+s7+$0x0] =	vst.idx.add.f32.msk $0xffff, v1  }
0xb6: {  	v44 =	vadd.s32 s14, v11;
	v12 =	vld [tilespmem:s17+$0xFFFFFFC0]  }
0xb7: {  	[tilespmem:v34+s7+$0x0] =	vst.idx.add.f32.msk $0xffff, v1;
	v38 =	vadd.s32 s18, v35  }
0xb8: {  	v39 =	vld [tilespmem:s17+$0x40]  }
0xb9: {  	v32 =	vld [tilespmem:s13+$0xFFFFFF54];
	v41 =	vadd.s32 s12, v37  }
0xba: {  	v16 =	vld [tilespmem:s13+$0x54]  }
0xbb: {  	[tilespmem:v44+s7+$0x0] =	vst.idx.add.f32.msk vm0, v1;
	v12 =	vadd.s32 s19, v12  }
0xbc: {  	[tilespmem:v38+s7+$0x0] =	vst.idx.add.f32.msk $0xffff, v1  }
0xbd: {  	vm3 =	vgt.s32 v11, $0xC;
	v42 =	vadd.s32 s16, v39;
	v43 =	vld [tilespmem:s17+$0xFFFFFF50]  }
0xbe: {  	v46 =	vmov s14;
	vm3 =	vmand vm3, vm1;
	[tilespmem:v41+s7+$0x0] =	vst.idx.add.f32.msk $0xffff, v1  }
0xbf: {  	v47 =	vor.u32 $0x36, v46;
	vm2 =	vgt.s32 v32, $0xC;
	v48 =	vld [tilespmem:s17+$0xD0]  }
0xc0: {  	v36 =	vadd.s32 s15, v32;
	vm2 =	vmand vm2, vm1;
	[tilespmem:v12+s7+$0x0] =	vst.idx.add.f32.msk $0xffff, v1  }
0xc1: {  	v7 =	vor.u32 $0x16, v7;
	v45 =	vld [tilespmem:s17+$0xFFFFFFD0]  }
0xc2: {  	[tilespmem:v42+s7+$0x0] =	vst.idx.add.f32.msk $0xffff, v1;
	v49 =	vadd.s32 s18, v43  }
0xc3: {  	v50 =	vld [tilespmem:s17+$0x50]  }
0xc4: {  	[tilespmem:v47+s7+$0x0] =	vst.idx.add.f32.msk vm3, v1;
	v51 =	vadd.s32 s12, v48  }
0xc5: {  	[tilespmem:v36+s7+$0x0] =	vst.idx.add.f32.msk vm0, v1  }
0xc6: {  	[tilespmem:v7+s7+$0x0] =	vst.idx.add.f32.msk vm2, v1;
	v11 =	vadd.s32 s19, v45  }
0xc7: {  	[tilespmem:v49+s7+$0x0] =	vst.idx.add.f32.msk $0xffff, v1  }
0xc8: {  	v52 =	vadd.s32 s16, v50;
	v53 =	vld [tilespmem:s17+$0xFFFFFF54]  }
0xc9: {  	vm3 =	vgt.s32 v16, $0xC;
	[tilespmem:v51+s7+$0x0] =	vst.idx.add.f32.msk $0xffff, v1  }
0xca: {  	v55 =	vadd.s32 s11, v16;
	vm3 =	vmand vm3, vm1;
	v56 =	vld [tilespmem:s17+$0xD4]  }
0xcb: {  	v4 =	vor.u32 $0x56, v4;
	vm2 =	vgt.s32 v40, $0xC;
	[tilespmem:v11+s7+$0x0] =	vst.idx.add.f32.msk $0xffff, v1  }
0xcc: {  	v54 =	vadd.s32 s10, v40;
	vm2 =	vmand vm2, vm1;
	v11 =	vld [tilespmem:s17+$0xFFFFFFD4]  }
0xcd: {  	v5 =	vor.u32 $0x76, v5;
	[tilespmem:v52+s7+$0x0] =	vst.idx.add.f32.msk $0xffff, v1;
	vm4 =	vgt.s32 v53, $0xC  }
0xce: {  	v58 =	vld [tilespmem:s17+$0x54];
	v57 =	vadd.s32 s18, v53;
	vm4 =	vmand vm4, vm1  }
0xcf: {  	v3 =	vor.u32 $0x16, v3;
	[tilespmem:v55+s7+$0x0] =	vst.idx.add.f32.msk vm0, v1;
	vm13 =	vgt.s32 v56, $0xC  }
0xd0: {  	[tilespmem:v4+s7+$0x0] =	vst.idx.add.f32.msk vm3, v1;
	v62 =	vadd.s32 s12, v56;
	vm3 =	vmand vm13, vm1  }
0xd1: {  	v2 =	vor.u32 $0x76, v2;
	[tilespmem:v54+s7+$0x0] =	vst.idx.add.f32.msk vm0, v1;
	vm5 =	vgt.s32 v11, $0xC  }
0xd2: {  	v60 =	vmov s19;
	[tilespmem:v5+s7+$0x0] =	vst.idx.add.f32.msk vm2, v1;
	v59 =	vadd.s32 s19, v11;
	vm2 =	vmand vm5, vm1  }
0xd3: {  	v61 =	vor.u32 $0x36, v60;
	vm14 =	vgt.s32 v58, $0xC;
	[tilespmem:v57+s7+$0x0] =	vst.idx.add.f32.msk vm0, v1  }
0xd4: {  	vm15 =	vmand vm14, vm1;
	[tilespmem:v3+s7+$0x0] =	vst.idx.add.f32.msk vm4, v1;
	v3 =	vadd.s32 s16, v58  }
0xd5: {  	v63 =	vor.u32 $0x56, v6;
	[tilespmem:v62+s7+$0x0] =	vst.idx.add.f32.msk vm0, v1  }
0xd6: {  	[tilespmem:v2+s7+$0x0] =	vst.idx.add.f32.msk vm3, v1  }
0xd7: {  	[tilespmem:v59+s7+$0x0] =	vst.idx.add.f32.msk vm0, v1  }
0xd8: {  	s9 =	sadd.s32 $0x1, s9;
	[tilespmem:v61+s7+$0x0] =	vst.idx.add.f32.msk vm2, v1  }
0xd9: {  	p0 =	sne.s32 s9, s5;
	[tilespmem:v3+s7+$0x0] =	vst.idx.add.f32.msk vm0, v1  }
.Ltmp2:
0xda: {  	[tilespmem:v63+s7+$0x0] =	vst.idx.add.f32.msk vm15, v1;
	(pc) =	sbr.rel @p0 .LBB2_1-.Ltmp2, $4  }
0xdb: {  	[hbm4b:s4+s2] =	stream.linear.scatter [tilespmem:s7], [sflag:$0x2], $0x1000, $0x38;
	[tilespmem:$0x5000] =	vst v63  }
0xdc: {  	_ =	swait.ge [sflag:s8], $0x1000  }
0xdd: {  	[sflag:s8] =	ssyncset.done $0x0  }
0xde: {  	[sflag:s8] =	ssyncadd.s32 $0xFFFFF000  }
0xdf: {  	_ =	sfence.sel $0x180000  }
0xe0: {  	[bflag:$0x0] =	sbarrier.arrive $0xFFFF  }
0xe1: {  	p0 =	sne.s32 s1, $0x0;
	_ =	strace $0x90000047  }
0xe2: {  	s0 =	sadd.s32 @!p0 $0x100000, s0;
	[bflag:$0x2] =	sbarrier.arrive $0xFFFF  }
0xe3: {  	[sflag:s0] =	ssyncadd.tile.s32 @!p0 $0x1;
	_ =	shalt  }
.Lfunc_end2:
_tile_overlayer_lowered:
.L_overlay_start_2:
0xe4: {  	(tag) =	ssettag $0x2  }
0xe5: {  	s0 =	rddreg [dreg:$0x0];
	s2 =	stileid.u32  }
0xe6: {  	s1 =	rddreg [dreg:$0x1];
	p0 =	sne.s32 s2, $0x0  }
0xe7: {  	s3 =	rddreg [dreg:$0x2];
	[bflag:$0x3] =	sbarrier.arrive $0xFFFF;
	s2 =	simm.s32 @!p0 $0x1C02  }
0xe8: {  	[timem:s3], [sflag:s2] =	dma.local @!p0 [hbm:s0], s1  }
0xe9: {  	s0 =	simm.s32 @!p0 $0x2  }
0xea: {  	_ =	swait.ge @!p0 [sflag:s0], s1  }
0xeb: {  	s1 =	ssub.s32 @!p0 $0x0, s1;
	[sflag:s0] =	ssyncset.done @!p0 $0x0  }
0xec: {  	[sflag:s0] =	ssyncadd.s32 @!p0 s1  }
0xed: {  	[bflag:$0x3] =	sbarrier.arrive $0xFFFF  }
0xee: {  	_ =	shalt  }

</sc_bundles>
